<compile_context>
chip_gen: v7x
topology: tpu7x:2x2x1
jax: 0.10.2.dev20260603
libtpu: 0.0.44.dev20260713+nightly
codegen_flags: <defaults>
</compile_context>

<pallas_src>
import jax
import jax.numpy as jnp
from jax import lax
from jax.experimental import pallas as pl
from jax.experimental.pallas import tpu as pltpu
from jax.experimental.pallas import tpu_sc as plsc

NUM_CLASSES = 1000
B, C = 4096, 26
CPAD = 32
NW = 32
PPW = B // NW


def _sc_body(xpad_hbm, zeros_hbm, out_hbm, idx_v, buf0, buf1, sem0, sem1):
    wid = lax.axis_index("s") * 2 + lax.axis_index("c")
    base = wid * PPW

    pltpu.sync_copy(xpad_hbm.at[pl.ds(base * CPAD, PPW * CPAD)], idx_v)
    pltpu.sync_copy(zeros_hbm, buf0)
    pltpu.sync_copy(zeros_hbm, buf1)

    iot = lax.iota(jnp.int32, 16)
    ones16 = jnp.full((16,), 1, jnp.int32)
    zeros16 = jnp.full((16,), 0, jnp.int32)
    mask2 = (iot + 16) < C
    zer16i = jnp.full((16,), 0, jnp.int32)

    def scatter_plane(buf, p_local, val):
        off = p_local * CPAD
        i0 = idx_v[pl.ds(off, 16)]
        plsc.store_scatter(buf, [zer16i, iot, i0], val)
        i1 = idx_v[pl.ds(off + 16, 16)]
        plsc.store_scatter(buf, [zer16i, iot + 16, i1], val, mask=mask2)

    def process(buf, sem, p_local):
        @pl.when(p_local >= 2)
        def _():
            pltpu.make_async_copy(
                buf,
                out_hbm.at[pl.ds(wid, 1)],
                sem,
            ).wait()
            scatter_plane(buf, p_local - 2, zeros16)

        scatter_plane(buf, p_local, ones16)
        pltpu.make_async_copy(
            buf,
            out_hbm.at[pl.ds(p_local * NW + wid, 1)],
            sem,
        ).start()

    def step(pp, carry):
        process(buf0, sem0, 2 * pp)
        process(buf1, sem1, 2 * pp + 1)
        return carry

    lax.fori_loop(0, PPW // 2, step, 0)

    for buf, sem in ((buf0, sem0), (buf1, sem1)):
        pltpu.make_async_copy(
            buf,
            out_hbm.at[pl.ds(base, 1)],
            sem,
        ).wait()


def kernel(x1):
    xpad = jnp.pad(x1, ((0, 0), (0, CPAD - C))).reshape(-1)
    zeros = jnp.zeros((1, C, NUM_CLASSES), jnp.int32)
    mesh = plsc.VectorSubcoreMesh(core_axis_name="c", subcore_axis_name="s")
    run = pl.kernel(
        _sc_body,
        out_type=jax.ShapeDtypeStruct((B, C, NUM_CLASSES), jnp.int32),
        mesh=mesh,
        scratch_types=[
            pltpu.VMEM((PPW * CPAD,), jnp.int32),
            pltpu.VMEM((1, C, NUM_CLASSES), jnp.int32),
            pltpu.VMEM((1, C, NUM_CLASSES), jnp.int32),
            pltpu.SemaphoreType.DMA,
            pltpu.SemaphoreType.DMA,
        ],
        compiler_params=pltpu.CompilerParams(use_tc_tiling_on_sc=True, needs_layout_passes=False),
    )
    return run(xpad, zeros)

# --- scband reference (transcript-rebuilt; emitter-appended) ---
"""Pipeline reference for scband-one-hot-90529320665935 (READ-ONLY COPY).

The authoritative reference and input builder live on the scoring server;
editing this copy changes nothing except your own understanding.
"""

import jax, jax.numpy as jnp
import numpy as np

NUM_CLASSES = 1000

def setup_inputs(seed: int = 0) -> dict:
    key = jax.random.key(seed)
    x1 = jax.random.randint(key, (4096, 26), 0, NUM_CLASSES, dtype=jnp.int32)
    return {"x1": x1}

def reference(x1) -> jnp.ndarray:
    # Faithful translation of torch.nn.functional.one_hot(x1, num_classes):
    # produces an integer one-hot tensor with a trailing class dimension.
    # torch returns int64; jax default config lacks x64, so we emit int32
    # (same values 0/1, widest portable int dtype).
    out = jax.nn.one_hot(x1, NUM_CLASSES, dtype=jnp.int32)
    return out

if __name__ == "__main__":
    import jax
    _d = setup_inputs()
    print(jax.jit(kernel)(*tuple(_d.values())))

</pallas_src>

<mosaic_0001>
#map = affine_map<(d0, d1) -> (0)>
#map1 = affine_map<(d0, d1) -> (0, 0, 0)>
module attributes {stable_mosaic.version = 14 : i64} {
  func.func @_sc_body(%arg0: i32, %arg1: i32, %arg2: memref<131072xi32, #tpu.memory_space<hbm>>, %arg3: memref<1x26x1000xi32, #tpu.memory_space<hbm>>, %arg4: memref<4096x26x1000xi32, #tpu.memory_space<hbm>>, %arg5: memref<4096xi32, #tpu.memory_space<vmem>>, %arg6: memref<1x26x1000xi32, #tpu.memory_space<vmem>>, %arg7: memref<1x26x1000xi32, #tpu.memory_space<vmem>>, %arg8: memref<!tpu.dma_semaphore, #tpu.memory_space<semaphore_mem>>, %arg9: memref<!tpu.dma_semaphore, #tpu.memory_space<semaphore_mem>>) attributes {dimension_semantics = [#tpu.dimension_semantics<core_parallel>, #tpu.dimension_semantics<subcore_parallel>], iteration_bounds = array<i64: 2, 16>, scalar_prefetch = 0 : i64, scratch_operands = 5 : i64, tpu.core_type = #tpu.core_type<sc_vector_subcore>, window_params = [{transform_indices = #map}, {transform_indices = #map1}, {transform_indices = #map1}]} {
    %mul3A = arith.constant 2 : i32
    %mul3A_0 = arith.muli %arg1, %mul3A : i32
    %add3A = arith.addi %mul3A_0, %arg0 : i32
    %mul3A_1 = arith.constant 128 : i32
    %mul3A_2 = arith.muli %add3A, %mul3A_1 : i32
    %mul3A_3 = arith.constant 32 : i32
    %mul3A_4 = arith.muli %mul3A_2, %mul3A_3 : i32
    "tpu.region"() ({
      %run_scoped3A = tpu.sem_alloc : memref<!tpu.dma_semaphore, #tpu.memory_space<semaphore_mem>>
      %dma_start3A = tpu.memref_slice %arg2[%mul3A_4] : memref<131072xi32, #tpu.memory_space<hbm>> -> memref<4096xi32, #tpu.memory_space<hbm>>
      %dma_start3A_31 = tpu.memref_slice %arg2[%mul3A_4] : memref<131072xi32, #tpu.memory_space<hbm>> -> memref<4096xi32, #tpu.memory_space<hbm>>
      tpu.enqueue_dma source(%dma_start3A_31 : memref<4096xi32, #tpu.memory_space<hbm>>) target(%arg5 : memref<4096xi32, #tpu.memory_space<vmem>>) target_semaphore(%run_scoped3A : memref<!tpu.dma_semaphore, #tpu.memory_space<semaphore_mem>>)
      %dma_wait3A_32 = tpu.memref_slice %arg2[%mul3A_4] : memref<131072xi32, #tpu.memory_space<hbm>> -> memref<4096xi32, #tpu.memory_space<hbm>>
      %dma_wait3A_33 = tpu.memref_slice %arg2[%mul3A_4] : memref<131072xi32, #tpu.memory_space<hbm>> -> memref<4096xi32, #tpu.memory_space<hbm>>
      tpu.wait_dma2 semaphore(%run_scoped3A : memref<!tpu.dma_semaphore, #tpu.memory_space<semaphore_mem>>) src(%dma_wait3A_33 : memref<4096xi32, #tpu.memory_space<hbm>>) dst(%arg5 : memref<4096xi32, #tpu.memory_space<vmem>>)
      tpu.yield
    }) : () -> ()
    "tpu.region"() ({
      %run_scoped3A = tpu.sem_alloc : memref<!tpu.dma_semaphore, #tpu.memory_space<semaphore_mem>>
      tpu.enqueue_dma source(%arg3 : memref<1x26x1000xi32, #tpu.memory_space<hbm>>) target(%arg6 : memref<1x26x1000xi32, #tpu.memory_space<vmem>>) target_semaphore(%run_scoped3A : memref<!tpu.dma_semaphore, #tpu.memory_space<semaphore_mem>>)
      tpu.wait_dma2 semaphore(%run_scoped3A : memref<!tpu.dma_semaphore, #tpu.memory_space<semaphore_mem>>) src(%arg3 : memref<1x26x1000xi32, #tpu.memory_space<hbm>>) dst(%arg6 : memref<1x26x1000xi32, #tpu.memory_space<vmem>>)
      tpu.yield
    }) : () -> ()
    "tpu.region"() ({
      %run_scoped3A = tpu.sem_alloc : memref<!tpu.dma_semaphore, #tpu.memory_space<semaphore_mem>>
      tpu.enqueue_dma source(%arg3 : memref<1x26x1000xi32, #tpu.memory_space<hbm>>) target(%arg7 : memref<1x26x1000xi32, #tpu.memory_space<vmem>>) target_semaphore(%run_scoped3A : memref<!tpu.dma_semaphore, #tpu.memory_space<semaphore_mem>>)
      tpu.wait_dma2 semaphore(%run_scoped3A : memref<!tpu.dma_semaphore, #tpu.memory_space<semaphore_mem>>) src(%arg3 : memref<1x26x1000xi32, #tpu.memory_space<hbm>>) dst(%arg7 : memref<1x26x1000xi32, #tpu.memory_space<vmem>>)
      tpu.yield
    }) : () -> ()
    %iota3A = tpu.iota {dimensions = array<i32: 0>} : vector<16xi32>
    %broadcast_in_dim3A = arith.constant 1 : i32
    %broadcast_in_dim3A_5 = vector.broadcast %broadcast_in_dim3A : i32 to vector<16xi32>
    %broadcast_in_dim3A_6 = arith.constant 0 : i32
    %broadcast_in_dim3A_7 = vector.broadcast %broadcast_in_dim3A_6 : i32 to vector<16xi32>
    %add3A_8 = arith.constant 16 : i32
    %add3A_9 = vector.broadcast %add3A_8 : i32 to vector<16xi32>
    %add3A_10 = arith.addi %iota3A, %add3A_9 : vector<16xi32>
    %lt3A = arith.constant 26 : i32
    %lt3A_11 = vector.broadcast %lt3A : i32 to vector<16xi32>
    %lt3A_12 = arith.cmpi slt, %add3A_10, %lt3A_11 : vector<16xi32>
    %broadcast_in_dim3A_13 = arith.constant 0 : i32
    %broadcast_in_dim3A_14 = vector.broadcast %broadcast_in_dim3A_13 : i32 to vector<16xi32>
    %scan3A = arith.constant 0 : i32
    %scan3A_15 = arith.constant 0 : i32
    %scan3A_16 = arith.constant 64 : i32
    %scan3A_17 = arith.addi %scan3A_15, %scan3A_16 : i32
    %scan3A_18 = arith.constant 1 : i32
    scf.for %scan3A_31 = %scan3A_15 to %scan3A_17 step %scan3A_18  : i32 {
      %mul3A_32 = arith.constant 2 : i32
      %mul3A_33 = arith.muli %mul3A_32, %scan3A_31 : i32
      %ge3A = arith.constant 2 : i32
      %ge3A_34 = arith.cmpi sge, %mul3A_33, %ge3A : i32
      %convert_element_type3A = arith.extui %ge3A_34 : i1 to i32
      %cond3A = arith.constant 0 : i32
      %cond3A_35 = arith.cmpi ne, %convert_element_type3A, %cond3A : i32
      scf.if %cond3A_35 {
        %dma_wait3A_83 = arith.constant 0 : i32
        %dma_wait3A_84 = arith.constant 0 : i32
        %dma_wait3A_85 = tpu.memref_slice %arg4[%add3A, %dma_wait3A_83, %dma_wait3A_84] : memref<4096x26x1000xi32, #tpu.memory_space<hbm>> -> memref<1x26x1000xi32, #tpu.memory_space<hbm>>
        %dma_wait3A_86 = arith.constant 0 : i32
        %dma_wait3A_87 = arith.constant 0 : i32
        %dma_wait3A_88 = tpu.memref_slice %arg4[%add3A, %dma_wait3A_86, %dma_wait3A_87] : memref<4096x26x1000xi32, #tpu.memory_space<hbm>> -> memref<1x26x1000xi32, #tpu.memory_space<hbm>>
        tpu.wait_dma2 semaphore(%arg8 : memref<!tpu.dma_semaphore, #tpu.memory_space<semaphore_mem>>) src(%arg6 : memref<1x26x1000xi32, #tpu.memory_space<vmem>>) dst(%dma_wait3A_88 : memref<1x26x1000xi32, #tpu.memory_space<hbm>>)
        %sub3A = arith.constant 2 : i32
        %sub3A_89 = arith.subi %mul3A_33, %sub3A : i32
        %mul3A_90 = arith.constant 32 : i32
        %mul3A_91 = arith.muli %sub3A_89, %mul3A_90 : i32
        %get3A_92 = arith.index_cast %mul3A_91 : i32 to index
        %get3A_93 = tpu.vector_load %arg5[%get3A_92] {strides = array<i32>} : memref<4096xi32, #tpu.memory_space<vmem>>, vector<16xi32>,
        tpu.vector_store_idx %arg6[%broadcast_in_dim3A_14, %iota3A, %get3A_93], %broadcast_in_dim3A_7 : memref<1x26x1000xi32, #tpu.memory_space<vmem>>[vector<16xi32>, vector<16xi32>, vector<16xi32>], vector<16xi32>,
        %add3A_94 = arith.constant 16 : i32
        %add3A_95 = arith.addi %mul3A_91, %add3A_94 : i32
        %get3A_96 = arith.index_cast %add3A_95 : i32 to index
        %get3A_97 = tpu.vector_load %arg5[%get3A_96] {strides = array<i32>} : memref<4096xi32, #tpu.memory_space<vmem>>, vector<16xi32>,
        %add3A_98 = arith.constant 16 : i32
        %add3A_99 = vector.broadcast %add3A_98 : i32 to vector<16xi32>
        %add3A_100 = arith.addi %iota3A, %add3A_99 : vector<16xi32>
        tpu.vector_store_idx %arg6[%broadcast_in_dim3A_14, %add3A_100, %get3A_97], %broadcast_in_dim3A_7 masked %lt3A_12 : memref<1x26x1000xi32, #tpu.memory_space<vmem>>[vector<16xi32>, vector<16xi32>, vector<16xi32>], vector<16xi32>, vector<16xi1>
      } else {
      }
      %mul3A_36 = arith.constant 32 : i32
      %mul3A_37 = arith.muli %mul3A_33, %mul3A_36 : i32
      %get3A = arith.index_cast %mul3A_37 : i32 to index
      %get3A_38 = tpu.vector_load %arg5[%get3A] {strides = array<i32>} : memref<4096xi32, #tpu.memory_space<vmem>>, vector<16xi32>,
      tpu.vector_store_idx %arg6[%broadcast_in_dim3A_14, %iota3A, %get3A_38], %broadcast_in_dim3A_5 : memref<1x26x1000xi32, #tpu.memory_space<vmem>>[vector<16xi32>, vector<16xi32>, vector<16xi32>], vector<16xi32>,
      %add3A_39 = arith.constant 16 : i32
      %add3A_40 = arith.addi %mul3A_37, %add3A_39 : i32
      %get3A_41 = arith.index_cast %add3A_40 : i32 to index
      %get3A_42 = tpu.vector_load %arg5[%get3A_41] {strides = array<i32>} : memref<4096xi32, #tpu.memory_space<vmem>>, vector<16xi32>,
      %add3A_43 = arith.constant 16 : i32
      %add3A_44 = vector.broadcast %add3A_43 : i32 to vector<16xi32>
      %add3A_45 = arith.addi %iota3A, %add3A_44 : vector<16xi32>
      tpu.vector_store_idx %arg6[%broadcast_in_dim3A_14, %add3A_45, %get3A_42], %broadcast_in_dim3A_5 masked %lt3A_12 : memref<1x26x1000xi32, #tpu.memory_space<vmem>>[vector<16xi32>, vector<16xi32>, vector<16xi32>], vector<16xi32>, vector<16xi1>
      %mul3A_46 = arith.constant 32 : i32
      %mul3A_47 = arith.muli %mul3A_33, %mul3A_46 : i32
      %add3A_48 = arith.addi %mul3A_47, %add3A : i32
      %dma_start3A = arith.constant 0 : i32
      %dma_start3A_49 = arith.constant 0 : i32
      %dma_start3A_50 = tpu.memref_slice %arg4[%add3A_48, %dma_start3A, %dma_start3A_49] : memref<4096x26x1000xi32, #tpu.memory_space<hbm>> -> memref<1x26x1000xi32, #tpu.memory_space<hbm>>
      %dma_start3A_51 = arith.constant 0 : i32
      %dma_start3A_52 = arith.constant 0 : i32
      %dma_start3A_53 = tpu.memref_slice %arg4[%add3A_48, %dma_start3A_51, %dma_start3A_52] : memref<4096x26x1000xi32, #tpu.memory_space<hbm>> -> memref<1x26x1000xi32, #tpu.memory_space<hbm>>
      tpu.enqueue_dma source(%arg6 : memref<1x26x1000xi32, #tpu.memory_space<vmem>>) target(%dma_start3A_53 : memref<1x26x1000xi32, #tpu.memory_space<hbm>>) target_semaphore(%arg8 : memref<!tpu.dma_semaphore, #tpu.memory_space<semaphore_mem>>)
      %mul3A_54 = arith.constant 2 : i32
      %mul3A_55 = arith.muli %mul3A_54, %scan3A_31 : i32
      %add3A_56 = arith.constant 1 : i32
      %add3A_57 = arith.addi %mul3A_55, %add3A_56 : i32
      %ge3A_58 = arith.constant 2 : i32
      %ge3A_59 = arith.cmpi sge, %add3A_57, %ge3A_58 : i32
      %convert_element_type3A_60 = arith.extui %ge3A_59 : i1 to i32
      %cond3A_61 = arith.constant 0 : i32
      %cond3A_62 = arith.cmpi ne, %convert_element_type3A_60, %cond3A_61 : i32
      scf.if %cond3A_62 {
        %dma_wait3A_83 = arith.constant 0 : i32
        %dma_wait3A_84 = arith.constant 0 : i32
        %dma_wait3A_85 = tpu.memref_slice %arg4[%add3A, %dma_wait3A_83, %dma_wait3A_84] : memref<4096x26x1000xi32, #tpu.memory_space<hbm>> -> memref<1x26x1000xi32, #tpu.memory_space<hbm>>
        %dma_wait3A_86 = arith.constant 0 : i32
        %dma_wait3A_87 = arith.constant 0 : i32
        %dma_wait3A_88 = tpu.memref_slice %arg4[%add3A, %dma_wait3A_86, %dma_wait3A_87] : memref<4096x26x1000xi32, #tpu.memory_space<hbm>> -> memref<1x26x1000xi32, #tpu.memory_space<hbm>>
        tpu.wait_dma2 semaphore(%arg9 : memref<!tpu.dma_semaphore, #tpu.memory_space<semaphore_mem>>) src(%arg7 : memref<1x26x1000xi32, #tpu.memory_space<vmem>>) dst(%dma_wait3A_88 : memref<1x26x1000xi32, #tpu.memory_space<hbm>>)
        %sub3A = arith.constant 2 : i32
        %sub3A_89 = arith.subi %add3A_57, %sub3A : i32
        %mul3A_90 = arith.constant 32 : i32
        %mul3A_91 = arith.muli %sub3A_89, %mul3A_90 : i32
        %get3A_92 = arith.index_cast %mul3A_91 : i32 to index
        %get3A_93 = tpu.vector_load %arg5[%get3A_92] {strides = array<i32>} : memref<4096xi32, #tpu.memory_space<vmem>>, vector<16xi32>,
        tpu.vector_store_idx %arg7[%broadcast_in_dim3A_14, %iota3A, %get3A_93], %broadcast_in_dim3A_7 : memref<1x26x1000xi32, #tpu.memory_space<vmem>>[vector<16xi32>, vector<16xi32>, vector<16xi32>], vector<16xi32>,
        %add3A_94 = arith.constant 16 : i32
        %add3A_95 = arith.addi %mul3A_91, %add3A_94 : i32
        %get3A_96 = arith.index_cast %add3A_95 : i32 to index
        %get3A_97 = tpu.vector_load %arg5[%get3A_96] {strides = array<i32>} : memref<4096xi32, #tpu.memory_space<vmem>>, vector<16xi32>,
        %add3A_98 = arith.constant 16 : i32
        %add3A_99 = vector.broadcast %add3A_98 : i32 to vector<16xi32>
        %add3A_100 = arith.addi %iota3A, %add3A_99 : vector<16xi32>
        tpu.vector_store_idx %arg7[%broadcast_in_dim3A_14, %add3A_100, %get3A_97], %broadcast_in_dim3A_7 masked %lt3A_12 : memref<1x26x1000xi32, #tpu.memory_space<vmem>>[vector<16xi32>, vector<16xi32>, vector<16xi32>], vector<16xi32>, vector<16xi1>
      } else {
      }
      %mul3A_63 = arith.constant 32 : i32
      %mul3A_64 = arith.muli %add3A_57, %mul3A_63 : i32
      %get3A_65 = arith.index_cast %mul3A_64 : i32 to index
      %get3A_66 = tpu.vector_load %arg5[%get3A_65] {strides = array<i32>} : memref<4096xi32, #tpu.memory_space<vmem>>, vector<16xi32>,
      tpu.vector_store_idx %arg7[%broadcast_in_dim3A_14, %iota3A, %get3A_66], %broadcast_in_dim3A_5 : memref<1x26x1000xi32, #tpu.memory_space<vmem>>[vector<16xi32>, vector<16xi32>, vector<16xi32>], vector<16xi32>,
      %add3A_67 = arith.constant 16 : i32
      %add3A_68 = arith.addi %mul3A_64, %add3A_67 : i32
      %get3A_69 = arith.index_cast %add3A_68 : i32 to index
      %get3A_70 = tpu.vector_load %arg5[%get3A_69] {strides = array<i32>} : memref<4096xi32, #tpu.memory_space<vmem>>, vector<16xi32>,
      %add3A_71 = arith.constant 16 : i32
      %add3A_72 = vector.broadcast %add3A_71 : i32 to vector<16xi32>
      %add3A_73 = arith.addi %iota3A, %add3A_72 : vector<16xi32>
      tpu.vector_store_idx %arg7[%broadcast_in_dim3A_14, %add3A_73, %get3A_70], %broadcast_in_dim3A_5 masked %lt3A_12 : memref<1x26x1000xi32, #tpu.memory_space<vmem>>[vector<16xi32>, vector<16xi32>, vector<16xi32>], vector<16xi32>, vector<16xi1>
      %mul3A_74 = arith.constant 32 : i32
      %mul3A_75 = arith.muli %add3A_57, %mul3A_74 : i32
      %add3A_76 = arith.addi %mul3A_75, %add3A : i32
      %dma_start3A_77 = arith.constant 0 : i32
      %dma_start3A_78 = arith.constant 0 : i32
      %dma_start3A_79 = tpu.memref_slice %arg4[%add3A_76, %dma_start3A_77, %dma_start3A_78] : memref<4096x26x1000xi32, #tpu.memory_space<hbm>> -> memref<1x26x1000xi32, #tpu.memory_space<hbm>>
      %dma_start3A_80 = arith.constant 0 : i32
      %dma_start3A_81 = arith.constant 0 : i32
      %dma_start3A_82 = tpu.memref_slice %arg4[%add3A_76, %dma_start3A_80, %dma_start3A_81] : memref<4096x26x1000xi32, #tpu.memory_space<hbm>> -> memref<1x26x1000xi32, #tpu.memory_space<hbm>>
      tpu.enqueue_dma source(%arg7 : memref<1x26x1000xi32, #tpu.memory_space<vmem>>) target(%dma_start3A_82 : memref<1x26x1000xi32, #tpu.memory_space<hbm>>) target_semaphore(%arg9 : memref<!tpu.dma_semaphore, #tpu.memory_space<semaphore_mem>>)
    }
    %scan3A_19 = arith.constant 64 : i32
    %dma_wait3A = arith.constant 0 : i32
    %dma_wait3A_20 = arith.constant 0 : i32
    %dma_wait3A_21 = tpu.memref_slice %arg4[%mul3A_2, %dma_wait3A, %dma_wait3A_20] : memref<4096x26x1000xi32, #tpu.memory_space<hbm>> -> memref<1x26x1000xi32, #tpu.memory_space<hbm>>
    %dma_wait3A_22 = arith.constant 0 : i32
    %dma_wait3A_23 = arith.constant 0 : i32
    %dma_wait3A_24 = tpu.memref_slice %arg4[%mul3A_2, %dma_wait3A_22, %dma_wait3A_23] : memref<4096x26x1000xi32, #tpu.memory_space<hbm>> -> memref<1x26x1000xi32, #tpu.memory_space<hbm>>
    tpu.wait_dma2 semaphore(%arg8 : memref<!tpu.dma_semaphore, #tpu.memory_space<semaphore_mem>>) src(%arg6 : memref<1x26x1000xi32, #tpu.memory_space<vmem>>) dst(%dma_wait3A_24 : memref<1x26x1000xi32, #tpu.memory_space<hbm>>)
    %dma_wait3A_25 = arith.constant 0 : i32
    %dma_wait3A_26 = arith.constant 0 : i32
    %dma_wait3A_27 = tpu.memref_slice %arg4[%mul3A_2, %dma_wait3A_25, %dma_wait3A_26] : memref<4096x26x1000xi32, #tpu.memory_space<hbm>> -> memref<1x26x1000xi32, #tpu.memory_space<hbm>>
    %dma_wait3A_28 = arith.constant 0 : i32
    %dma_wait3A_29 = arith.constant 0 : i32
    %dma_wait3A_30 = tpu.memref_slice %arg4[%mul3A_2, %dma_wait3A_28, %dma_wait3A_29] : memref<4096x26x1000xi32, #tpu.memory_space<hbm>> -> memref<1x26x1000xi32, #tpu.memory_space<hbm>>
    tpu.wait_dma2 semaphore(%arg9 : memref<!tpu.dma_semaphore, #tpu.memory_space<semaphore_mem>>) src(%arg7 : memref<1x26x1000xi32, #tpu.memory_space<vmem>>) dst(%dma_wait3A_30 : memref<1x26x1000xi32, #tpu.memory_space<hbm>>)
    return
  }
}

</mosaic_0001>

<sc_bundles>
// kernel: kernel.3.cloned.1.call-start
scs
__scs_entry_jumppad:
0x0: {  	(pc) =	sbr.rel $0x88, $3  }
0x1: {  	(tag) =	ssettag $0x0;
	lr =	simm.s32 $0x1  }
0x2: {  	[smem:$0x3FA0] =	sst lr;
	_ =	strace $0xD0000000  }
0x3: {  	_ = 	snop  }
0x4: {  	_ = 	snop  }
0x5: {  	_ = 	snop  }
0x6: {  	_ = 	snop  }
0x7: {  	_ = 	snop  }
__scs_overlays_trampoline_lowered:
0x8: {  	[smem:$0x3FAF] =	sst s0  }
0x9: {  	[smem:$0x3FB0] =	sst s1  }
0xa: {  	[smem:$0x3FB1] =	sst s2  }
0xb: {  	[smem:$0x3FB2] =	sst s3  }
0xc: {  	[smem:$0x3FB3] =	sst s4  }
0xd: {  	[smem:$0x3FB4] =	sst s5  }
0xe: {  	[smem:$0x3FB5] =	sst s6  }
0xf: {  	[smem:$0x3FB6] =	sst s7  }
0x10: {  	[smem:$0x3FB7] =	sst s8  }
0x11: {  	[smem:$0x3FB8] =	sst s9;
	s0 =	simm.s32 @!p0 $0x0  }
0x12: {  	s1 =	sld [smem:$0x3F9E];
	s0 =	simm.s32 @p0 $0x1  }
0x13: {  	[smem:$0x3FB9] =	sst s0;
	s0 =	simm.s32 @!p1 $0x0  }
0x14: {  	s2 =	sld [smem:$0x3F9D];
	s0 =	simm.s32 @p1 $0x1  }
0x15: {  	[smem:$0x3FBA] =	sst s0;
	s0 =	simm.s32 @!p2 $0x0  }
0x16: {  	s3 =	sld [smem:$0x3FDB];
	s0 =	simm.s32 @p2 $0x1  }
0x17: {  	s4 =	simm.s32 $0x1BF5;
	[smem:$0x3FBC] =	sst s0  }
0x18: {  	s0 =	sld [smem:$0x3F9F];
	_ =	swait.ge [sflag:s4], $0x0  }
0x19: {  	s7 =	sld [smem:$0x3FA0]  }
0x1a: {  	s8 =	sadd.s32 $0xFFFFE003, lr  }
0x1b: {  	s9 =	sadd.s32 $0xFFFFFEF7, lr;
	s5 =	simm.s32 $0xFFFFFFFF;
	p2 =	slt.u32 s8, $0xFFFFF086  }
0x1c: {  	p1 =	slt.u32 s9, $0xF7A;
	s5 =	simm.s32 @!p2 $0x0  }
0x1d: {  	s5 =	simm.s32 @p1 $0x1;
	p0 =	seq.s32 s7, s2  }
0x1e: {  	s7 =	smul.u32 @!p0 $0xF7A, s2;
	p2 =	seq.s32 @!p0 s5, $0x0  }
0x1f: {  	s9 =	smul.u32 $0xF7A, s1;
	s8 =	simm.s32 @!p0 $0x1BF5;
	p2 =	por !p2, p0  }
0x20: {  	[sflag:s8] =	ssyncset.s32 @!p0 $0xFFFFF086;
	s6 =	sadd.s32 @!p0 s3, s7;
	s7 =	simm.s32 @!p0 $0x108  }
0x21: {  	s3 =	sadd.s32 s3, s9;
	s6 =	sadd.s32 @!p0 $0x88, s6;
	s7 =	simm.s32 @p2 $0x1082  }
0x22: {  	[simem:s7], [sflag:s8] =	dma.local @!p0 [hbm:s6], $0xF7A  }
0x23: {  	s9 =	sor.u32 $0xD0000000, s2;
	s6 =	simm.s32 $0x108;
	_ =	swait.ge @!p0 [sflag:s8], $0x0  }
0x24: {  	s3 =	sadd.s32 $0x88, s3;
	s6 =	simm.s32 @!p1 $0x1082;
	[sflag:s4] =	ssyncset.s32 $0xFFFFF086  }
0x25: {  	[simem:s6], [sflag:s4] =	dma.local [hbm:s3], $0xF7A  }
0x26: {  	[smem:$0x3FA0] =	sst s1;
	(tag) =	ssettag s2;
	_ =	strace s9  }
0x27: {  	s1 =	sld [smem:$0x3FB0]  }
0x28: {  	s2 =	sld [smem:$0x3FB1]  }
0x29: {  	s4 =	sld [smem:$0x3FB3]  }
0x2a: {  	p0 =	seq.s32 s5, $0x0;
	s5 =	sld [smem:$0x3FB4]  }
0x2b: {  	s6 =	sld [smem:$0x3FB5]  }
0x2c: {  	s7 =	sld [smem:$0x3FB6]  }
0x2d: {  	s3 =	simm.s32 $0x108;
	s8 =	sld [smem:$0x3FB7]  }
0x2e: {  	s3 =	simm.s32 @!p0 $0x1082;
	s9 =	sld [smem:$0x3FB8]  }
0x2f: {  	lr =	sadd.s32 s0, s3;
	s0 =	sld [smem:$0x3FAF]  }
0x30: {  	s3 =	sld [smem:$0x3FB2]  }
0x31: {  	[smem:$0x3FBB] =	sst s10  }
0x32: {  	s10 =	sld [smem:$0x3FB9];
	_ =	sdelay $0x3  }
0x33: {  	p0 =	seq.s32 s10, $0x1;
	s10 =	sld [smem:$0x3FBB];
	_ =	sdelay $0x3  }
0x34: {  	[smem:$0x3FBB] =	sst s10  }
0x35: {  	s10 =	sld [smem:$0x3FBA];
	_ =	sdelay $0x3  }
0x36: {  	p1 =	seq.s32 s10, $0x1;
	s10 =	sld [smem:$0x3FBB];
	_ =	sdelay $0x3  }
0x37: {  	[smem:$0x3FBB] =	sst s10  }
0x38: {  	s10 =	sld [smem:$0x3FBC]  }
0x39: {  	_ = 	snop;
	(pc) =	sbr.ind lr, $3  }
0x3a: {  	_ = 	snop  }
0x3b: {  	_ = 	snop  }
0x3c: {  	p2 =	seq.s32 s10, $0x1;
	s10 =	sld [smem:$0x3FBB]  }
0x3d: {  	_ =	shalt  }
0x3e: {  	_ =	shalt  }
0x3f: {  	_ =	shalt  }
0x40: {  	_ =	shalt  }
0x41: {  	_ =	shalt  }
0x42: {  	_ =	shalt  }
0x43: {  	_ =	shalt  }
0x44: {  	_ =	shalt  }
0x45: {  	_ =	shalt  }
0x46: {  	_ =	shalt  }
0x47: {  	_ =	shalt  }
0x48: {  	_ =	shalt  }
0x49: {  	_ =	shalt  }
0x4a: {  	_ =	shalt  }
0x4b: {  	_ =	shalt  }
0x4c: {  	_ =	shalt  }
0x4d: {  	_ =	shalt  }
0x4e: {  	_ =	shalt  }
0x4f: {  	_ =	shalt  }
0x50: {  	_ =	shalt  }
0x51: {  	_ =	shalt  }
0x52: {  	_ =	shalt  }
0x53: {  	_ =	shalt  }
0x54: {  	_ =	shalt  }
0x55: {  	_ =	shalt  }
0x56: {  	_ =	shalt  }
0x57: {  	_ =	shalt  }
0x58: {  	_ =	shalt  }
0x59: {  	_ =	shalt  }
0x5a: {  	_ =	shalt  }
0x5b: {  	_ =	shalt  }
0x5c: {  	_ =	shalt  }
0x5d: {  	_ =	shalt  }
0x5e: {  	_ =	shalt  }
0x5f: {  	_ =	shalt  }
0x60: {  	_ =	shalt  }
0x61: {  	_ =	shalt  }
0x62: {  	_ =	shalt  }
0x63: {  	_ =	shalt  }
0x64: {  	_ =	shalt  }
0x65: {  	_ =	shalt  }
0x66: {  	_ =	shalt  }
0x67: {  	_ =	shalt  }
0x68: {  	_ =	shalt  }
0x69: {  	_ =	shalt  }
0x6a: {  	_ =	shalt  }
0x6b: {  	_ =	shalt  }
0x6c: {  	_ =	shalt  }
0x6d: {  	_ =	shalt  }
0x6e: {  	_ =	shalt  }
0x6f: {  	_ =	shalt  }
0x70: {  	_ =	shalt  }
0x71: {  	_ =	shalt  }
0x72: {  	_ =	shalt  }
0x73: {  	_ =	shalt  }
0x74: {  	_ =	shalt  }
0x75: {  	_ =	shalt  }
0x76: {  	_ =	shalt  }
0x77: {  	_ =	shalt  }
0x78: {  	_ =	shalt  }
0x79: {  	_ =	shalt  }
0x7a: {  	_ =	shalt  }
0x7b: {  	_ =	shalt  }
0x7c: {  	_ =	shalt  }
0x7d: {  	_ =	shalt  }
0x7e: {  	_ =	shalt  }
0x7f: {  	_ =	shalt  }
0x80: {  	_ =	shalt  }
0x81: {  	_ =	shalt  }
0x82: {  	_ =	shalt  }
0x83: {  	_ =	shalt  }
0x84: {  	_ =	shalt  }
0x85: {  	_ =	shalt  }
0x86: {  	_ =	shalt  }
0x87: {  	_ =	shalt  }
.Lfunc_end0:
.L_simem_size_0:
called_computation_lowered:
.L_overlay_start_0:
0x88: {  	s2 =	sld [smem:$0x3FD9]  }
0x89: {  	s3 =	sld [smem:$0x3FFE];
	_ =	sdelay $0x1  }
0x8a: {  	s1 =	srdreg.scid  }
0x8b: {  	s0 =	sand.u32 $0x1, s1  }
0x8c: {  	s17 =	sshll.u32 s0, $0xA;
	s2 =	sadd.s32 s3, s2  }
0x8d: {  	s2 =	sadd.s32 s2, s17  }
0x8e: {  	[smem:$0x3FC7] =	sst s2  }
0x8f: {  	_ = 	snop  }
0x90: {  	s2 =	sld [smem:$0x3FD0];
	(tm) =	ssettm $0x1  }
0x91: {  	s18 =	sld [smem:$0x3FFB];
	_ =	sdelay $0x3  }
0x92: {  	_ =	strace s18  }
0x93: {  	s3 =	sld [smem:$0x3FFC];
	_ =	sdelay $0x3  }
0x94: {  	_ =	strace s3  }
0x95: {  	s3 =	sld [smem:$0x3FFD];
	_ =	sdelay $0x3  }
0x96: {  	_ =	strace s3  }
0x97: {  	_ =	strace $0x8FFFFFFF  }
0x98: {  	s19 =	sld [smem:$0x3FDB];
	_ =	sdelay $0x1  }
0x99: {  	s4 =	simm.s32 $_scs_section_size  }
0x9a: {  	s5 =	simm.s32 $_size__tile_overlayer_lowered;
	s6 =	simm.s32 $_tile_overlayer_lowered  }
0x9b: {  	s22 =	simm.s32 $0x1BFF;
	s21 =	sshll.u32 s6, $0x1;
	s3 =	sadd.s32 s4, s19  }
0x9c: {  	s7 =	simm.s32 $0x0;
	s20 =	sshll.u32 s5, $0x1;
	s5 =	sadd.s32 s21, s3  }
0x9d: {  	[timem:s7], [sflag:s22] =	dma.local [hbm:s5], s20  }
0x9e: {  	_ =	swait.ge [sflag:s22], s20  }
0x9f: {  	s4 =	ssub.s32 $0x0, s20;
	[sflag:s22] =	ssyncset.done $0x0  }
0xa0: {  	[sflag:s22] =	ssyncadd.s32 s4;
	_ =	sdelay $0x1  }
0xa1: {  	s23 =	simm.s32 $0x1B8B  }
0xa2: {  	_ =	swait.ge [sflag:s23], $0x1  }
0xa3: {  	[sflag:s23] =	ssyncset.done $0x0  }
0xa4: {  	s25 =	simm.s32 $0x1B8E;
	s24 =	sld [smem:$0x3FFE];
	[sflag:s23] =	ssyncadd.s32 $0xFFFFFFFF  }
0xa5: {  	s26 =	simm.s32 $execute0_lowered;
	[smem:$0x3FD2] =	sst s25  }
0xa6: {  	s5 =	sshll.u32 s26, $0x1;
	_ =	strace $0x80000046;
	[dreg:$0x1] =	wrdreg $0xFFFFFFFF  }
0xa7: {  	s28 =	simm.s32 $_size_execute0_lowered;
	s3 =	sadd.s32 s3, s5;
	[dreg:$0x0] =	wrdreg $0x0  }
0xa8: {  	s5 =	sshll.u32 s28, $0x1;
	[dreg:$0x2] =	wrdreg s3  }
0xa9: {  	[dreg:$0x3] =	wrdreg s5  }
0xaa: {  	[dreg:$0x4] =	wrdreg $0xC0  }
0xab: {  	_ =	task [dreg:s7], $0x5FFFF  }
0xac: {  	[dreg:$0x1] =	wrdreg $0xFFFFFFFF  }
0xad: {  	[dreg:$0x0] =	wrdreg $0x60  }
0xae: {  	[dreg:$0x2] =	wrdreg s2  }
0xaf: {  	[dreg:$0x3] =	wrdreg s24  }
0xb0: {  	[dreg:$0x4] =	wrdreg $0x9  }
0xb1: {  	_ =	task.clear_ibuf [dreg:s7], $0x5FFFF;
	_ =	strace $0x90000046  }
0xb2: {  	s29 =	simm.s32 $0x9;
	_ =	strace $0x80000048  }
0xb3: {  	_ =	swait.ge [sflag:s29], $0x1  }
0xb4: {  	[sflag:s29] =	ssyncadd.s32 $0xFFFFFFFF  }
0xb5: {  	_ =	strace $0x90000048  }
0xb6: {  	_ =	sfence  }
0xb7: {  	s30 =	sld [smem:$0x0];
	_ =	sdelay $0x2  }
0xb8: {  	s31 =	sshll.u32 s1, $0xD;
	s1 =	sshrl.u32 s1, $0x2  }
0xb9: {  	s3 =	sand.u32 $0x4000, s31;
	s1 =	sadd.s32 s1, s30  }
0xba: {  	s0 =	sor.u32 s3, s0;
	s1 =	sshll.u32 s1, $0x11  }
0xbb: {  	s0 =	sor.u32 s1, s0  }
0xbc: {  	s0 =	sadd.s32 $0x8F2B, s0  }
0xbd: {  	[sflag:s0] =	ssyncadd.remote.s32 $0x1  }
0xbe: {  	_ =	sfence.sel $0xFFFF  }
0xbf: {  	[dreg:$0x0] =	wrdreg $0xFFFFFFFF;
	(pc) =	sbr.abs _section_cstart, $3  }
0xc0: {  	[dreg:$0x1] =	wrdreg $0xFFFFFFFF  }
0xc1: {  	_ =	task.clear_ibuf [dreg:s7], $0x2FFFF;
	_ =	strace $0x9FFFFFFF  }
0xc2: {  	(tm) =	ssettm $0x7FFFFFFF  }
0xc3: {  	_ =	shalt  }
tec
execute0_lowered:
.L_overlay_start_1:
0x0: {  	(tag) =	ssettag $0x1  }
0x1: {  	v0 =	vimm.s32 $0x2380;
	vm0 =	vcmask $0x300  }
0x2: {  	vm1 =	vcmask $0x704;
	v1 =	vimm.s32 $0x6380;
	vm2 =	vcmask $0xB08  }
0x3: {  	vm4 =	vcmask $0xF0C;
	v0 =	vsel vm0, $0x0, v0;
	v1 =	vsel vm0, $0x4000, v1  }
0x4: {  	vm5 =	vcmask $0x1310;
	v0 =	vsel vm1, $0x80, v0;
	v1 =	vsel vm1, $0x4080, v1  }
0x5: {  	vm6 =	vcmask $0x1714;
	v0 =	vsel vm2, $0x100, v0;
	v1 =	vsel vm2, $0x4100, v1  }
0x6: {  	vm7 =	vcmask $0x1B18;
	v0 =	vsel vm4, $0x180, v0;
	v1 =	vsel vm4, $0x4180, v1  }
0x7: {  	s4 =	rddreg [dreg:$0x0];
	vm8 =	vcmask $0x1F1C;
	v0 =	vsel vm5, $0x200, v0;
	v1 =	vsel vm5, $0x4200, v1  }
0x8: {  	s5 =	rddreg [dreg:$0x1];
	vm9 =	vcmask $0x2320;
	v0 =	vsel vm6, $0x280, v0;
	v1 =	vsel vm6, $0x4280, v1  }
0x9: {  	s0 =	rddreg [dreg:$0x2];
	s1 =	simm.s32 $0x0;
	s3 =	srdreg.scid;
	vm10 =	vcmask $0x2724;
	v0 =	vsel vm7, $0x300, v0;
	v1 =	vsel vm7, $0x4300, v1  }
0xa: {  	s2 =	stileid.u32;
	vm11 =	vcmask $0x2B28;
	s11 =	simm.s32 $0x2;
	s12 =	simm.s32 $0x0;
	v0 =	vsel vm8, $0x380, v0;
	v1 =	vsel vm8, $0x4380, v1  }
0xb: {  	vm12 =	vcmask $0x2F2C;
	[smem:$0x7FF] =	sst s1;
	s6 =	sand.u32 $0x1, s3;
	s7 =	sshll.u32 s2, $0xD;
	v0 =	vsel vm9, $0x2000, v0;
	v1 =	vsel vm9, $0x6000, v1  }
0xc: {  	s3 =	sadd.s32 $0x400, s5;
	s9 =	sshll.u32 s2, $0xA;
	_ =	strace $0x80000047;
	v0 =	vsel vm10, $0x2080, v0;
	v1 =	vsel vm10, $0x6080, v1  }
0xd: {  	vm13 =	vcmask $0x3330;
	s8 =	ssub.s32 $0x2, s6;
	s5 =	sadd.s32 s7, s5;
	s10 =	sshll.u32 s6, $0x9;
	v0 =	vsel vm11, $0x2100, v0;
	v1 =	vsel vm11, $0x6100, v1  }
0xe: {  	vm14 =	vcmask $0x3734;
	s6 =	sshll.u32 s6, $0xC;
	s30 =	sshrl.u32 s8, $0x1;
	s31 =	sor.u32 s10, s9;
	v0 =	vsel vm12, $0x2180, v0;
	v1 =	vsel vm12, $0x6180, v1  }
0xf: {  	vm15 =	vcmask $0x3B38;
	s6 =	sadd.s32 s6, s5;
	s9 =	simm.s32 $0x9000;
	s10 =	simm.s32 $0x1;
	v0 =	vsel vm13, $0x2200, v0;
	v1 =	vsel vm13, $0x6200, v1  }
0x10: {  	v3 =	vimm.s32 $0x0;
	s7 =	ssub.s32 s8, s30;
	s4 =	sadd.s32 s4, s31;
	s6 =	sadd.s32 $0x1400, s6;
	v0 =	vsel vm14, $0x2280, v0;
	v2 =	vsel vm14, $0x6280, v1  }
0x11: {  	s8 =	simm.s32 $0x1000;
	s5 =	smax.u32 s7, $0x1;
	s7 =	simm.s32 $0x3;
	v1 =	vimm.s32 $0x1;
	v0 =	vsel vm15, $0x2300, v0;
	v2 =	vsel vm15, $0x6300, v2  }
.LBB2_1:
0x12: {  	[tilespmem:s1], [sflag:$0x3] =	stream.linear.gather [hbm4b:s4+s1], $0x1000, $0x38;
	[tilespmem:$0x11000] =	vst v63  }
0x13: {  	_ =	swait.ge [sflag:s7], $0x1000  }
0x14: {  	[sflag:s7] =	ssyncset.done $0x0  }
0x15: {  	[sflag:s7] =	ssyncadd.s32 $0xFFFFF000  }
0x16: {  	[tilespmem:s8], [sflag:$0x3] =	stream.linear.gather [hbm4b:s3+s1], $0x8000, $0x38;
	[tilespmem:$0x11000] =	vst v63  }
0x17: {  	_ =	swait.ge [sflag:s7], $0x8000  }
0x18: {  	[sflag:s7] =	ssyncset.done $0x0  }
0x19: {  	[sflag:s7] =	ssyncadd.s32 $0xFFFF8000  }
0x1a: {  	[tilespmem:s9], [sflag:$0x3] =	stream.linear.gather [hbm4b:s3+s1], $0x8000, $0x38;
	[tilespmem:$0x11000] =	vst v63  }
0x1b: {  	_ =	swait.ge [sflag:s7], $0x8000  }
0x1c: {  	[sflag:s7] =	ssyncset.done $0x0  }
0x1d: {  	s13 =	simm.s32 $0x0;
	s14 =	simm.s32 $0x0;
	[sflag:s7] =	ssyncadd.s32 $0xFFFF8000  }
.LBB2_2:
0x1e: {  	p0 =	seq.s32 s14, $0x0  }
0x1f: {  	_ =	swait.ge @!p0 [sflag:s10], $0x8000  }
0x20: {  	[sflag:s10] =	ssyncset.done @!p0 $0x0  }
0x21: {  	[sflag:s10] =	ssyncadd.s32 @!p0 $0xFFFF8000  }
0x22: {  	v4 =	vld @!p0 [tilespmem:s13+$0xFFFFFFC0];
	_ =	sdelay $0x4  }
0x23: {  	v5 =	vshll.u32 @!p0 v4, $0x3  }
0x24: {  	v4 =	vand.u32 @!p0 $0x7F, v4;
	v5 =	vand.u32 @!p0 $0xFFFFFC00, v5  }
0x25: {  	v4 =	vor.u32 @!p0 v4, v5  }
0x26: {  	v4 =	vadd.s32 @!p0 v0, v4;
	_ =	sdelay $0x4  }
0x27: {  	[tilespmem:v4+s8+$0x0] =	vst.idx.msk @!p0 $0xffff, v3  }
0x28: {  	v4 =	vld @!p0 [tilespmem:s13+$0xFFFFFFD0];
	_ =	sdelay $0x4  }
0x29: {  	v5 =	vshll.u32 @!p0 v4, $0x3  }
0x2a: {  	v4 =	vand.u32 @!p0 $0x7F, v4;
	v5 =	vand.u32 @!p0 $0xFFFFFC00, v5  }
0x2b: {  	v4 =	vor.u32 @!p0 v4, v5  }
0x2c: {  	v4 =	vadd.s32 @!p0 v2, v4;
	_ =	sdelay $0x4  }
0x2d: {  	[tilespmem:v4+s8+$0x0] =	vst.idx.msk @!p0 $0x3ff, v3  }
0x2e: {  	v4 =	vld [tilespmem:s13+$0x0];
	_ =	sdelay $0x4  }
0x2f: {  	v5 =	vshll.u32 v4, $0x3  }
0x30: {  	v4 =	vand.u32 $0x7F, v4;
	v5 =	vand.u32 $0xFFFFFC00, v5  }
0x31: {  	v4 =	vor.u32 v4, v5  }
0x32: {  	v4 =	vadd.s32 v0, v4;
	_ =	sdelay $0x4  }
0x33: {  	[tilespmem:v4+s8+$0x0] =	vst.idx.msk $0xffff, v1  }
0x34: {  	v4 =	vld [tilespmem:s13+$0x10];
	_ =	sdelay $0x4  }
0x35: {  	v5 =	vshll.u32 v4, $0x3  }
0x36: {  	v4 =	vand.u32 $0x7F, v4;
	v5 =	vand.u32 $0xFFFFFC00, v5  }
0x37: {  	v4 =	vor.u32 v4, v5  }
0x38: {  	v4 =	vadd.s32 v2, v4;
	_ =	sdelay $0x4  }
0x39: {  	s15 =	sadd.s32 s14, s6;
	[tilespmem:v4+s8+$0x0] =	vst.idx.msk $0x3ff, v1  }
0x3a: {  	[hbm4b:s15+s1] =	stream.linear.scatter [tilespmem:s8], [sflag:$0x1], $0x8000, $0x38;
	[tilespmem:$0x11000] =	vst v63  }
0x3b: {  	_ =	swait.ge @!p0 [sflag:s11], $0x8000  }
0x3c: {  	[sflag:s11] =	ssyncset.done @!p0 $0x0  }
0x3d: {  	[sflag:s11] =	ssyncadd.s32 @!p0 $0xFFFF8000  }
0x3e: {  	v4 =	vld @!p0 [tilespmem:s13+$0xFFFFFFE0];
	_ =	sdelay $0x4  }
0x3f: {  	v5 =	vshll.u32 @!p0 v4, $0x3  }
0x40: {  	v4 =	vand.u32 @!p0 $0x7F, v4;
	v5 =	vand.u32 @!p0 $0xFFFFFC00, v5  }
0x41: {  	v4 =	vor.u32 @!p0 v4, v5  }
0x42: {  	v4 =	vadd.s32 @!p0 v0, v4;
	_ =	sdelay $0x4  }
0x43: {  	[tilespmem:v4+s9+$0x0] =	vst.idx.msk @!p0 $0xffff, v3  }
0x44: {  	v4 =	vld @!p0 [tilespmem:s13+$0xFFFFFFF0];
	_ =	sdelay $0x4  }
0x45: {  	v5 =	vshll.u32 @!p0 v4, $0x3  }
0x46: {  	v4 =	vand.u32 @!p0 $0x7F, v4;
	v5 =	vand.u32 @!p0 $0xFFFFFC00, v5  }
0x47: {  	v4 =	vor.u32 @!p0 v4, v5  }
0x48: {  	v4 =	vadd.s32 @!p0 v2, v4;
	_ =	sdelay $0x4  }
0x49: {  	[tilespmem:v4+s9+$0x0] =	vst.idx.msk @!p0 $0x3ff, v3  }
0x4a: {  	v4 =	vld [tilespmem:s13+$0x20];
	_ =	sdelay $0x4  }
0x4b: {  	v5 =	vshll.u32 v4, $0x3  }
0x4c: {  	v4 =	vand.u32 $0x7F, v4;
	v5 =	vand.u32 $0xFFFFFC00, v5  }
0x4d: {  	v4 =	vor.u32 v4, v5  }
0x4e: {  	v4 =	vadd.s32 v0, v4;
	_ =	sdelay $0x4  }
0x4f: {  	[tilespmem:v4+s9+$0x0] =	vst.idx.msk $0xffff, v1  }
0x50: {  	v4 =	vld [tilespmem:s13+$0x30];
	_ =	sdelay $0x4  }
0x51: {  	v5 =	vshll.u32 v4, $0x3  }
0x52: {  	v4 =	vand.u32 $0x7F, v4;
	v5 =	vand.u32 $0xFFFFFC00, v5  }
0x53: {  	v4 =	vor.u32 v4, v5  }
0x54: {  	s14 =	sadd.s32 $0x40000, s14;
	v4 =	vadd.s32 v2, v4  }
0x55: {  	p0 =	sne.s32 s14, $0x1000000  }
.Ltmp0:
0x56: {  	_ = 	snop;
	(pc) =	sbr.rel @p0 .LBB2_2-.Ltmp0, $3  }
0x57: {  	_ =	sdelay $0x1  }
0x58: {  	s15 =	sadd.s32 $0x20000, s15;
	s13 =	sadd.s32 $0x40, s13;
	[tilespmem:v4+s9+$0x0] =	vst.idx.msk $0x3ff, v1  }
0x59: {  	[hbm4b:s15+s1] =	stream.linear.scatter [tilespmem:s9], [sflag:$0x2], $0x8000, $0x38;
	[tilespmem:$0x11000] =	vst v63  }
0x5a: {  	s12 =	sadd.s32 $0x1, s12  }
0x5b: {  	_ =	swait.ge [sflag:s10], $0x8000;
	p0 =	sne.s32 s12, s5  }
.Ltmp1:
0x5c: {  	[sflag:s10] =	ssyncset.done $0x0;
	(pc) =	sbr.rel @p0 .LBB2_1-.Ltmp1, $4  }
0x5d: {  	[sflag:s10] =	ssyncadd.s32 $0xFFFF8000  }
0x5e: {  	_ =	swait.ge [sflag:s11], $0x8000  }
0x5f: {  	[sflag:s11] =	ssyncset.done $0x0  }
0x60: {  	[sflag:s11] =	ssyncadd.s32 $0xFFFF8000  }
0x61: {  	_ =	sfence.sel $0x180000  }
0x62: {  	[bflag:$0x0] =	sbarrier.arrive $0xFFFF  }
0x63: {  	p0 =	sne.s32 s2, $0x0;
	_ =	strace $0x90000047  }
0x64: {  	s0 =	sadd.s32 @!p0 $0x100000, s0;
	[bflag:$0x2] =	sbarrier.arrive $0xFFFF  }
0x65: {  	[sflag:s0] =	ssyncadd.tile.s32 @!p0 $0x1;
	_ =	shalt  }
.Lfunc_end2:
_tile_overlayer_lowered:
.L_overlay_start_2:
0x66: {  	(tag) =	ssettag $0x2  }
0x67: {  	s0 =	rddreg [dreg:$0x0];
	s2 =	stileid.u32  }
0x68: {  	s1 =	rddreg [dreg:$0x1];
	p0 =	sne.s32 s2, $0x0  }
0x69: {  	s3 =	rddreg [dreg:$0x2];
	[bflag:$0x3] =	sbarrier.arrive $0xFFFF;
	s2 =	simm.s32 @!p0 $0x1C03  }
0x6a: {  	[timem:s3], [sflag:s2] =	dma.local @!p0 [hbm:s0], s1  }
0x6b: {  	s0 =	simm.s32 @!p0 $0x3  }
0x6c: {  	_ =	swait.ge @!p0 [sflag:s0], s1  }
0x6d: {  	s1 =	ssub.s32 @!p0 $0x0, s1;
	[sflag:s0] =	ssyncset.done @!p0 $0x0  }
0x6e: {  	[sflag:s0] =	ssyncadd.s32 @!p0 s1  }
0x6f: {  	[bflag:$0x3] =	sbarrier.arrive $0xFFFF  }
0x70: {  	_ =	shalt  }

</sc_bundles>
